<compile_context>
chip_gen: v7x
topology: tpu7x:2x2x1
jax: 0.10.2.dev20260603
libtpu: 0.0.44.dev20260713+nightly
codegen_flags: <defaults>
</compile_context>

<pallas_src>
import functools

import jax
import jax.numpy as jnp
from jax import lax
from jax.experimental import pallas as pl
from jax.experimental.pallas import tpu as pltpu
from jax.experimental.pallas import tpu_sc as plsc

B = 16384
F = 26
D = 16
VOCAB = 1000000

NC = 2
NS = 16
NW = NC * NS
COLS = B // NW
GATHERS = F * COLS // 128


WPAD = VOCAB + 448


def _gather_body(
    idx_hbm, w_hbm, fo_hbm, idx_v, wv_v, b0, b1, w_sh, gsem, hsem, ssem, isem
):
    c = lax.axis_index("c")
    s = lax.axis_index("s")
    wid = s * NC + c
    col0 = wid * COLS

    idx_copy = pltpu.async_copy(idx_hbm.at[:, pl.ds(col0, COLS)], idx_v, isem)

    seg = WPAD // NS
    chunk = F * COLS
    bounce = (b0, b1)
    sp_copies = [None, None]
    for i in range(5):
        n = chunk if i < 4 else seg - 4 * chunk
        off = s * seg + i * chunk
        bi = i % 2
        if sp_copies[bi] is not None:
            sp_copies[bi].wait()
        pltpu.async_copy(
            w_hbm.at[pl.ds(off, n)], bounce[bi].at[pl.ds(0, n)], hsem
        ).wait()
        sp_copies[bi] = pltpu.async_copy(
            bounce[bi].at[pl.ds(0, n)], w_sh.at[pl.ds(off, n)], ssem
        )
    sp_copies[0].wait()
    sp_copies[1].wait()
    idx_copy.wait()
    plsc.subcore_barrier()

    def fire(j, carry):
        f = j // (COLS // 128)
        k = j % (COLS // 128)
        pltpu.async_copy(
            w_sh.at[idx_v.at[f, pl.ds(k * 128, 128)]],
            wv_v.at[f, pl.ds(k * 128, 128)],
            gsem,
        )
        return carry

    lax.fori_loop(0, GATHERS, fire, 0)

    def drain(j, carry):
        pltpu.make_async_copy(
            w_hbm.at[pl.ds(0, 128)], wv_v.at[0, pl.ds(0, 128)], gsem
        ).wait()
        return carry

    lax.fori_loop(0, GATHERS, drain, 0)

    pltpu.sync_copy(wv_v, fo_hbm.at[:, pl.ds(col0, COLS)])


@functools.cache
def _gather_sc():
    return pl.kernel(
        _gather_body,
        out_type=jax.ShapeDtypeStruct((F, B), jnp.float32),
        mesh=plsc.VectorSubcoreMesh(
            core_axis_name="c", subcore_axis_name="s",
            num_cores=NC, num_subcores=NS,
        ),
        scratch_types=[
            pltpu.VMEM((F, COLS), jnp.int32),
            pltpu.VMEM((F, COLS), jnp.float32),
            pltpu.VMEM((F * COLS,), jnp.float32),
            pltpu.VMEM((F * COLS,), jnp.float32),
            pltpu.VMEM_SHARED((WPAD,), jnp.float32),
            pltpu.SemaphoreType.DMA,
            pltpu.SemaphoreType.DMA,
            pltpu.SemaphoreType.DMA,
            pltpu.SemaphoreType.DMA,
        ],
    )


def _pool_body(e_ref, o_ref):
    e = e_ref[...]
    ssum = jnp.sum(e, axis=0)
    ssq = jnp.sum(e * e, axis=0)
    o_ref[...] = 0.5 * (ssum * ssum - ssq)


def _pool_tc(eT):
    blk = 2048
    return pl.pallas_call(
        _pool_body,
        grid=(B // blk,),
        in_specs=[pl.BlockSpec((F, D, blk), lambda i: (0, 0, i))],
        out_specs=pl.BlockSpec((D, blk), lambda i: (0, i)),
        out_shape=jax.ShapeDtypeStruct((D, B), jnp.float32),
    )(eT)


def kernel(sparse_inputs, embed_inputs, w):
    idxT = sparse_inputs.T
    eT = embed_inputs.transpose(1, 2, 0)
    wf = jnp.pad(w, ((0, 448), (0, 0))).reshape(VOCAB + 448)
    foT = _gather_sc()(idxT, wf)
    soT = _pool_tc(eT)
    return jnp.concatenate([foT, soT], axis=0).T

# --- scband reference (transcript-rebuilt; emitter-appended) ---
"""Pipeline reference for scband-fm-30837865185449 (READ-ONLY COPY).

The authoritative reference and input builder live on the scoring server;
editing this copy changes nothing except your own understanding.
"""

import jax, jax.numpy as jnp
import numpy as np

FEATURE_LENGTH = 1000000
BATCH = 16384
N_FIELDS = 26
EMBED_DIM = 16


def setup_inputs(seed: int = 0) -> dict:
    key = jax.random.key(seed)
    k1, k2, k3 = jax.random.split(key, 3)
    sparse_inputs = jax.random.randint(k1, (BATCH, N_FIELDS), 0, FEATURE_LENGTH, dtype=jnp.int64 if jax.config.jax_enable_x64 else jnp.int32).astype(jnp.int32)
    embed_inputs = jax.random.normal(k2, (BATCH, N_FIELDS, EMBED_DIM), dtype=jnp.float32)
    # learned parameter: first-order weight table w of shape (feature_length, 1)
    w = jax.random.normal(k3, (FEATURE_LENGTH, 1), dtype=jnp.float32) * 0.05
    return {"sparse_inputs": sparse_inputs, "embed_inputs": embed_inputs, "w": w}


def reference(sparse_inputs, embed_inputs, w):
    # first order: embedding lookup into w, shape [B, F, 1]
    first_order = jnp.take(w, sparse_inputs, axis=0)
    # reduce_sum over axis=2 (the size-1 dim) -> [B, F]
    first_order = jnp.sum(first_order, axis=2)
    # second order FM interaction term
    square_sum = jnp.square(jnp.sum(embed_inputs, axis=1))          # [B, D]
    sum_square = jnp.sum(jnp.square(embed_inputs), axis=1)          # [B, D]
    second_order = 0.5 * (square_sum - sum_square)                  # [B, D]
    out = jnp.concatenate([first_order, second_order], axis=-1)     # [B, F + D]
    return out

if __name__ == "__main__":
    import jax
    _d = setup_inputs()
    print(jax.jit(kernel)(*tuple(_d.values())))

</pallas_src>

<mosaic_0001>
#map = affine_map<(d0, d1) -> (0, 0)>
#map1 = affine_map<(d0, d1) -> (0)>
module attributes {stable_mosaic.version = 14 : i64} {
  func.func @_gather_body(%arg0: i32, %arg1: i32, %arg2: memref<26x16384xi32, #tpu.memory_space<hbm>>, %arg3: memref<1000448xf32, #tpu.memory_space<hbm>>, %arg4: memref<26x16384xf32, #tpu.memory_space<hbm>>, %arg5: memref<26x512xi32, #tpu.memory_space<vmem>>, %arg6: memref<26x512xf32, #tpu.memory_space<vmem>>, %arg7: memref<13312xf32, #tpu.memory_space<vmem>>, %arg8: memref<13312xf32, #tpu.memory_space<vmem>>, %arg9: memref<1000448xf32, #tpu.memory_space<vmem_shared>>, %arg10: memref<!tpu.dma_semaphore, #tpu.memory_space<semaphore_mem>>, %arg11: memref<!tpu.dma_semaphore, #tpu.memory_space<semaphore_mem>>, %arg12: memref<!tpu.dma_semaphore, #tpu.memory_space<semaphore_mem>>, %arg13: memref<!tpu.dma_semaphore, #tpu.memory_space<semaphore_mem>>) attributes {dimension_semantics = [#tpu.dimension_semantics<core_parallel>, #tpu.dimension_semantics<subcore_parallel>], iteration_bounds = array<i64: 2, 16>, scalar_prefetch = 0 : i64, scratch_operands = 9 : i64, tpu.core_type = #tpu.core_type<sc_vector_subcore>, window_params = [{transform_indices = #map}, {transform_indices = #map1}, {transform_indices = #map}]} {
    %mul3A = arith.constant 2 : i32
    %mul3A_0 = arith.muli %arg1, %mul3A : i32
    %add3A = arith.addi %mul3A_0, %arg0 : i32
    %mul3A_1 = arith.constant 512 : i32
    %mul3A_2 = arith.muli %add3A, %mul3A_1 : i32
    %dma_start3A = arith.constant 0 : i32
    %dma_start3A_3 = tpu.memref_slice %arg2[%dma_start3A, %mul3A_2] : memref<26x16384xi32, #tpu.memory_space<hbm>> -> memref<26x512xi32, #tpu.memory_space<hbm>>
    %dma_start3A_4 = arith.constant 0 : i32
    %dma_start3A_5 = tpu.memref_slice %arg2[%dma_start3A_4, %mul3A_2] : memref<26x16384xi32, #tpu.memory_space<hbm>> -> memref<26x512xi32, #tpu.memory_space<hbm>>
    tpu.enqueue_dma source(%dma_start3A_5 : memref<26x512xi32, #tpu.memory_space<hbm>>) target(%arg5 : memref<26x512xi32, #tpu.memory_space<vmem>>) target_semaphore(%arg13 : memref<!tpu.dma_semaphore, #tpu.memory_space<semaphore_mem>>)
    %mul3A_6 = arith.constant 62528 : i32
    %mul3A_7 = arith.muli %arg1, %mul3A_6 : i32
    %add3A_8 = arith.constant 0 : i32
    %add3A_9 = arith.addi %mul3A_7, %add3A_8 : i32
    %dma_start3A_10 = arith.constant 0 : i32
    %dma_start3A_11 = tpu.memref_slice %arg7[%dma_start3A_10] : memref<13312xf32, #tpu.memory_space<vmem>> -> memref<13312xf32, #tpu.memory_space<vmem>>
    %dma_start3A_12 = tpu.memref_slice %arg3[%add3A_9] : memref<1000448xf32, #tpu.memory_space<hbm>> -> memref<13312xf32, #tpu.memory_space<hbm>>
    %dma_start3A_13 = arith.constant 0 : i32
    %dma_start3A_14 = tpu.memref_slice %arg7[%dma_start3A_13] : memref<13312xf32, #tpu.memory_space<vmem>> -> memref<13312xf32, #tpu.memory_space<vmem>>
    %dma_start3A_15 = tpu.memref_slice %arg3[%add3A_9] : memref<1000448xf32, #tpu.memory_space<hbm>> -> memref<13312xf32, #tpu.memory_space<hbm>>
    tpu.enqueue_dma source(%dma_start3A_15 : memref<13312xf32, #tpu.memory_space<hbm>>) target(%dma_start3A_14 : memref<13312xf32, #tpu.memory_space<vmem>>) target_semaphore(%arg11 : memref<!tpu.dma_semaphore, #tpu.memory_space<semaphore_mem>>)
    %dma_wait3A = arith.constant 0 : i32
    %dma_wait3A_16 = tpu.memref_slice %arg7[%dma_wait3A] : memref<13312xf32, #tpu.memory_space<vmem>> -> memref<13312xf32, #tpu.memory_space<vmem>>
    %dma_wait3A_17 = tpu.memref_slice %arg3[%add3A_9] : memref<1000448xf32, #tpu.memory_space<hbm>> -> memref<13312xf32, #tpu.memory_space<hbm>>
    %dma_wait3A_18 = arith.constant 0 : i32
    %dma_wait3A_19 = tpu.memref_slice %arg7[%dma_wait3A_18] : memref<13312xf32, #tpu.memory_space<vmem>> -> memref<13312xf32, #tpu.memory_space<vmem>>
    %dma_wait3A_20 = tpu.memref_slice %arg3[%add3A_9] : memref<1000448xf32, #tpu.memory_space<hbm>> -> memref<13312xf32, #tpu.memory_space<hbm>>
    tpu.wait_dma2 semaphore(%arg11 : memref<!tpu.dma_semaphore, #tpu.memory_space<semaphore_mem>>) src(%dma_wait3A_20 : memref<13312xf32, #tpu.memory_space<hbm>>) dst(%dma_wait3A_19 : memref<13312xf32, #tpu.memory_space<vmem>>)
    %dma_start3A_21 = arith.constant 0 : i32
    %dma_start3A_22 = tpu.memref_slice %arg7[%dma_start3A_21] : memref<13312xf32, #tpu.memory_space<vmem>> -> memref<13312xf32, #tpu.memory_space<vmem>>
    %dma_start3A_23 = tpu.memref_slice %arg9[%add3A_9] : memref<1000448xf32, #tpu.memory_space<vmem_shared>> -> memref<13312xf32, #tpu.memory_space<vmem_shared>>
    %dma_start3A_24 = tpu.memref_slice %arg9[%add3A_9] : memref<1000448xf32, #tpu.memory_space<vmem_shared>> -> memref<13312xf32, #tpu.memory_space<vmem_shared>>
    %dma_start3A_25 = arith.constant 0 : i32
    %dma_start3A_26 = tpu.memref_slice %arg7[%dma_start3A_25] : memref<13312xf32, #tpu.memory_space<vmem>> -> memref<13312xf32, #tpu.memory_space<vmem>>
    tpu.enqueue_dma source(%dma_start3A_26 : memref<13312xf32, #tpu.memory_space<vmem>>) target(%dma_start3A_24 : memref<13312xf32, #tpu.memory_space<vmem_shared>>) target_semaphore(%arg12 : memref<!tpu.dma_semaphore, #tpu.memory_space<semaphore_mem>>)
    %mul3A_27 = arith.constant 62528 : i32
    %mul3A_28 = arith.muli %arg1, %mul3A_27 : i32
    %add3A_29 = arith.constant 13312 : i32
    %add3A_30 = arith.addi %mul3A_28, %add3A_29 : i32
    %dma_start3A_31 = arith.constant 0 : i32
    %dma_start3A_32 = tpu.memref_slice %arg8[%dma_start3A_31] : memref<13312xf32, #tpu.memory_space<vmem>> -> memref<13312xf32, #tpu.memory_space<vmem>>
    %dma_start3A_33 = tpu.memref_slice %arg3[%add3A_30] : memref<1000448xf32, #tpu.memory_space<hbm>> -> memref<13312xf32, #tpu.memory_space<hbm>>
    %dma_start3A_34 = arith.constant 0 : i32
    %dma_start3A_35 = tpu.memref_slice %arg8[%dma_start3A_34] : memref<13312xf32, #tpu.memory_space<vmem>> -> memref<13312xf32, #tpu.memory_space<vmem>>
    %dma_start3A_36 = tpu.memref_slice %arg3[%add3A_30] : memref<1000448xf32, #tpu.memory_space<hbm>> -> memref<13312xf32, #tpu.memory_space<hbm>>
    tpu.enqueue_dma source(%dma_start3A_36 : memref<13312xf32, #tpu.memory_space<hbm>>) target(%dma_start3A_35 : memref<13312xf32, #tpu.memory_space<vmem>>) target_semaphore(%arg11 : memref<!tpu.dma_semaphore, #tpu.memory_space<semaphore_mem>>)
    %dma_wait3A_37 = arith.constant 0 : i32
    %dma_wait3A_38 = tpu.memref_slice %arg8[%dma_wait3A_37] : memref<13312xf32, #tpu.memory_space<vmem>> -> memref<13312xf32, #tpu.memory_space<vmem>>
    %dma_wait3A_39 = tpu.memref_slice %arg3[%add3A_30] : memref<1000448xf32, #tpu.memory_space<hbm>> -> memref<13312xf32, #tpu.memory_space<hbm>>
    %dma_wait3A_40 = arith.constant 0 : i32
    %dma_wait3A_41 = tpu.memref_slice %arg8[%dma_wait3A_40] : memref<13312xf32, #tpu.memory_space<vmem>> -> memref<13312xf32, #tpu.memory_space<vmem>>
    %dma_wait3A_42 = tpu.memref_slice %arg3[%add3A_30] : memref<1000448xf32, #tpu.memory_space<hbm>> -> memref<13312xf32, #tpu.memory_space<hbm>>
    tpu.wait_dma2 semaphore(%arg11 : memref<!tpu.dma_semaphore, #tpu.memory_space<semaphore_mem>>) src(%dma_wait3A_42 : memref<13312xf32, #tpu.memory_space<hbm>>) dst(%dma_wait3A_41 : memref<13312xf32, #tpu.memory_space<vmem>>)
    %dma_start3A_43 = arith.constant 0 : i32
    %dma_start3A_44 = tpu.memref_slice %arg8[%dma_start3A_43] : memref<13312xf32, #tpu.memory_space<vmem>> -> memref<13312xf32, #tpu.memory_space<vmem>>
    %dma_start3A_45 = tpu.memref_slice %arg9[%add3A_30] : memref<1000448xf32, #tpu.memory_space<vmem_shared>> -> memref<13312xf32, #tpu.memory_space<vmem_shared>>
    %dma_start3A_46 = tpu.memref_slice %arg9[%add3A_30] : memref<1000448xf32, #tpu.memory_space<vmem_shared>> -> memref<13312xf32, #tpu.memory_space<vmem_shared>>
    %dma_start3A_47 = arith.constant 0 : i32
    %dma_start3A_48 = tpu.memref_slice %arg8[%dma_start3A_47] : memref<13312xf32, #tpu.memory_space<vmem>> -> memref<13312xf32, #tpu.memory_space<vmem>>
    tpu.enqueue_dma source(%dma_start3A_48 : memref<13312xf32, #tpu.memory_space<vmem>>) target(%dma_start3A_46 : memref<13312xf32, #tpu.memory_space<vmem_shared>>) target_semaphore(%arg12 : memref<!tpu.dma_semaphore, #tpu.memory_space<semaphore_mem>>)
    %mul3A_49 = arith.constant 62528 : i32
    %mul3A_50 = arith.muli %arg1, %mul3A_49 : i32
    %add3A_51 = arith.constant 26624 : i32
    %add3A_52 = arith.addi %mul3A_50, %add3A_51 : i32
    %dma_wait3A_53 = arith.constant 0 : i32
    %dma_wait3A_54 = tpu.memref_slice %arg7[%dma_wait3A_53] : memref<13312xf32, #tpu.memory_space<vmem>> -> memref<13312xf32, #tpu.memory_space<vmem>>
    %dma_wait3A_55 = tpu.memref_slice %arg9[%add3A_9] : memref<1000448xf32, #tpu.memory_space<vmem_shared>> -> memref<13312xf32, #tpu.memory_space<vmem_shared>>
    %dma_wait3A_56 = tpu.memref_slice %arg9[%add3A_9] : memref<1000448xf32, #tpu.memory_space<vmem_shared>> -> memref<13312xf32, #tpu.memory_space<vmem_shared>>
    %dma_wait3A_57 = arith.constant 0 : i32
    %dma_wait3A_58 = tpu.memref_slice %arg7[%dma_wait3A_57] : memref<13312xf32, #tpu.memory_space<vmem>> -> memref<13312xf32, #tpu.memory_space<vmem>>
    tpu.wait_dma2 semaphore(%arg12 : memref<!tpu.dma_semaphore, #tpu.memory_space<semaphore_mem>>) src(%dma_wait3A_58 : memref<13312xf32, #tpu.memory_space<vmem>>) dst(%dma_wait3A_56 : memref<13312xf32, #tpu.memory_space<vmem_shared>>)
    %dma_start3A_59 = arith.constant 0 : i32
    %dma_start3A_60 = tpu.memref_slice %arg7[%dma_start3A_59] : memref<13312xf32, #tpu.memory_space<vmem>> -> memref<13312xf32, #tpu.memory_space<vmem>>
    %dma_start3A_61 = tpu.memref_slice %arg3[%add3A_52] : memref<1000448xf32, #tpu.memory_space<hbm>> -> memref<13312xf32, #tpu.memory_space<hbm>>
    %dma_start3A_62 = arith.constant 0 : i32
    %dma_start3A_63 = tpu.memref_slice %arg7[%dma_start3A_62] : memref<13312xf32, #tpu.memory_space<vmem>> -> memref<13312xf32, #tpu.memory_space<vmem>>
    %dma_start3A_64 = tpu.memref_slice %arg3[%add3A_52] : memref<1000448xf32, #tpu.memory_space<hbm>> -> memref<13312xf32, #tpu.memory_space<hbm>>
    tpu.enqueue_dma source(%dma_start3A_64 : memref<13312xf32, #tpu.memory_space<hbm>>) target(%dma_start3A_63 : memref<13312xf32, #tpu.memory_space<vmem>>) target_semaphore(%arg11 : memref<!tpu.dma_semaphore, #tpu.memory_space<semaphore_mem>>)
    %dma_wait3A_65 = arith.constant 0 : i32
    %dma_wait3A_66 = tpu.memref_slice %arg7[%dma_wait3A_65] : memref<13312xf32, #tpu.memory_space<vmem>> -> memref<13312xf32, #tpu.memory_space<vmem>>
    %dma_wait3A_67 = tpu.memref_slice %arg3[%add3A_52] : memref<1000448xf32, #tpu.memory_space<hbm>> -> memref<13312xf32, #tpu.memory_space<hbm>>
    %dma_wait3A_68 = arith.constant 0 : i32
    %dma_wait3A_69 = tpu.memref_slice %arg7[%dma_wait3A_68] : memref<13312xf32, #tpu.memory_space<vmem>> -> memref<13312xf32, #tpu.memory_space<vmem>>
    %dma_wait3A_70 = tpu.memref_slice %arg3[%add3A_52] : memref<1000448xf32, #tpu.memory_space<hbm>> -> memref<13312xf32, #tpu.memory_space<hbm>>
    tpu.wait_dma2 semaphore(%arg11 : memref<!tpu.dma_semaphore, #tpu.memory_space<semaphore_mem>>) src(%dma_wait3A_70 : memref<13312xf32, #tpu.memory_space<hbm>>) dst(%dma_wait3A_69 : memref<13312xf32, #tpu.memory_space<vmem>>)
    %dma_start3A_71 = arith.constant 0 : i32
    %dma_start3A_72 = tpu.memref_slice %arg7[%dma_start3A_71] : memref<13312xf32, #tpu.memory_space<vmem>> -> memref<13312xf32, #tpu.memory_space<vmem>>
    %dma_start3A_73 = tpu.memref_slice %arg9[%add3A_52] : memref<1000448xf32, #tpu.memory_space<vmem_shared>> -> memref<13312xf32, #tpu.memory_space<vmem_shared>>
    %dma_start3A_74 = tpu.memref_slice %arg9[%add3A_52] : memref<1000448xf32, #tpu.memory_space<vmem_shared>> -> memref<13312xf32, #tpu.memory_space<vmem_shared>>
    %dma_start3A_75 = arith.constant 0 : i32
    %dma_start3A_76 = tpu.memref_slice %arg7[%dma_start3A_75] : memref<13312xf32, #tpu.memory_space<vmem>> -> memref<13312xf32, #tpu.memory_space<vmem>>
    tpu.enqueue_dma source(%dma_start3A_76 : memref<13312xf32, #tpu.memory_space<vmem>>) target(%dma_start3A_74 : memref<13312xf32, #tpu.memory_space<vmem_shared>>) target_semaphore(%arg12 : memref<!tpu.dma_semaphore, #tpu.memory_space<semaphore_mem>>)
    %mul3A_77 = arith.constant 62528 : i32
    %mul3A_78 = arith.muli %arg1, %mul3A_77 : i32
    %add3A_79 = arith.constant 39936 : i32
    %add3A_80 = arith.addi %mul3A_78, %add3A_79 : i32
    %dma_wait3A_81 = arith.constant 0 : i32
    %dma_wait3A_82 = tpu.memref_slice %arg8[%dma_wait3A_81] : memref<13312xf32, #tpu.memory_space<vmem>> -> memref<13312xf32, #tpu.memory_space<vmem>>
    %dma_wait3A_83 = tpu.memref_slice %arg9[%add3A_30] : memref<1000448xf32, #tpu.memory_space<vmem_shared>> -> memref<13312xf32, #tpu.memory_space<vmem_shared>>
    %dma_wait3A_84 = tpu.memref_slice %arg9[%add3A_30] : memref<1000448xf32, #tpu.memory_space<vmem_shared>> -> memref<13312xf32, #tpu.memory_space<vmem_shared>>
    %dma_wait3A_85 = arith.constant 0 : i32
    %dma_wait3A_86 = tpu.memref_slice %arg8[%dma_wait3A_85] : memref<13312xf32, #tpu.memory_space<vmem>> -> memref<13312xf32, #tpu.memory_space<vmem>>
    tpu.wait_dma2 semaphore(%arg12 : memref<!tpu.dma_semaphore, #tpu.memory_space<semaphore_mem>>) src(%dma_wait3A_86 : memref<13312xf32, #tpu.memory_space<vmem>>) dst(%dma_wait3A_84 : memref<13312xf32, #tpu.memory_space<vmem_shared>>)
    %dma_start3A_87 = arith.constant 0 : i32
    %dma_start3A_88 = tpu.memref_slice %arg8[%dma_start3A_87] : memref<13312xf32, #tpu.memory_space<vmem>> -> memref<13312xf32, #tpu.memory_space<vmem>>
    %dma_start3A_89 = tpu.memref_slice %arg3[%add3A_80] : memref<1000448xf32, #tpu.memory_space<hbm>> -> memref<13312xf32, #tpu.memory_space<hbm>>
    %dma_start3A_90 = arith.constant 0 : i32
    %dma_start3A_91 = tpu.memref_slice %arg8[%dma_start3A_90] : memref<13312xf32, #tpu.memory_space<vmem>> -> memref<13312xf32, #tpu.memory_space<vmem>>
    %dma_start3A_92 = tpu.memref_slice %arg3[%add3A_80] : memref<1000448xf32, #tpu.memory_space<hbm>> -> memref<13312xf32, #tpu.memory_space<hbm>>
    tpu.enqueue_dma source(%dma_start3A_92 : memref<13312xf32, #tpu.memory_space<hbm>>) target(%dma_start3A_91 : memref<13312xf32, #tpu.memory_space<vmem>>) target_semaphore(%arg11 : memref<!tpu.dma_semaphore, #tpu.memory_space<semaphore_mem>>)
    %dma_wait3A_93 = arith.constant 0 : i32
    %dma_wait3A_94 = tpu.memref_slice %arg8[%dma_wait3A_93] : memref<13312xf32, #tpu.memory_space<vmem>> -> memref<13312xf32, #tpu.memory_space<vmem>>
    %dma_wait3A_95 = tpu.memref_slice %arg3[%add3A_80] : memref<1000448xf32, #tpu.memory_space<hbm>> -> memref<13312xf32, #tpu.memory_space<hbm>>
    %dma_wait3A_96 = arith.constant 0 : i32
    %dma_wait3A_97 = tpu.memref_slice %arg8[%dma_wait3A_96] : memref<13312xf32, #tpu.memory_space<vmem>> -> memref<13312xf32, #tpu.memory_space<vmem>>
    %dma_wait3A_98 = tpu.memref_slice %arg3[%add3A_80] : memref<1000448xf32, #tpu.memory_space<hbm>> -> memref<13312xf32, #tpu.memory_space<hbm>>
    tpu.wait_dma2 semaphore(%arg11 : memref<!tpu.dma_semaphore, #tpu.memory_space<semaphore_mem>>) src(%dma_wait3A_98 : memref<13312xf32, #tpu.memory_space<hbm>>) dst(%dma_wait3A_97 : memref<13312xf32, #tpu.memory_space<vmem>>)
    %dma_start3A_99 = arith.constant 0 : i32
    %dma_start3A_100 = tpu.memref_slice %arg8[%dma_start3A_99] : memref<13312xf32, #tpu.memory_space<vmem>> -> memref<13312xf32, #tpu.memory_space<vmem>>
    %dma_start3A_101 = tpu.memref_slice %arg9[%add3A_80] : memref<1000448xf32, #tpu.memory_space<vmem_shared>> -> memref<13312xf32, #tpu.memory_space<vmem_shared>>
    %dma_start3A_102 = tpu.memref_slice %arg9[%add3A_80] : memref<1000448xf32, #tpu.memory_space<vmem_shared>> -> memref<13312xf32, #tpu.memory_space<vmem_shared>>
    %dma_start3A_103 = arith.constant 0 : i32
    %dma_start3A_104 = tpu.memref_slice %arg8[%dma_start3A_103] : memref<13312xf32, #tpu.memory_space<vmem>> -> memref<13312xf32, #tpu.memory_space<vmem>>
    tpu.enqueue_dma source(%dma_start3A_104 : memref<13312xf32, #tpu.memory_space<vmem>>) target(%dma_start3A_102 : memref<13312xf32, #tpu.memory_space<vmem_shared>>) target_semaphore(%arg12 : memref<!tpu.dma_semaphore, #tpu.memory_space<semaphore_mem>>)
    %mul3A_105 = arith.constant 62528 : i32
    %mul3A_106 = arith.muli %arg1, %mul3A_105 : i32
    %add3A_107 = arith.constant 53248 : i32
    %add3A_108 = arith.addi %mul3A_106, %add3A_107 : i32
    %dma_wait3A_109 = arith.constant 0 : i32
    %dma_wait3A_110 = tpu.memref_slice %arg7[%dma_wait3A_109] : memref<13312xf32, #tpu.memory_space<vmem>> -> memref<13312xf32, #tpu.memory_space<vmem>>
    %dma_wait3A_111 = tpu.memref_slice %arg9[%add3A_52] : memref<1000448xf32, #tpu.memory_space<vmem_shared>> -> memref<13312xf32, #tpu.memory_space<vmem_shared>>
    %dma_wait3A_112 = tpu.memref_slice %arg9[%add3A_52] : memref<1000448xf32, #tpu.memory_space<vmem_shared>> -> memref<13312xf32, #tpu.memory_space<vmem_shared>>
    %dma_wait3A_113 = arith.constant 0 : i32
    %dma_wait3A_114 = tpu.memref_slice %arg7[%dma_wait3A_113] : memref<13312xf32, #tpu.memory_space<vmem>> -> memref<13312xf32, #tpu.memory_space<vmem>>
    tpu.wait_dma2 semaphore(%arg12 : memref<!tpu.dma_semaphore, #tpu.memory_space<semaphore_mem>>) src(%dma_wait3A_114 : memref<13312xf32, #tpu.memory_space<vmem>>) dst(%dma_wait3A_112 : memref<13312xf32, #tpu.memory_space<vmem_shared>>)
    %dma_start3A_115 = arith.constant 0 : i32
    %dma_start3A_116 = tpu.memref_slice %arg7[%dma_start3A_115] : memref<13312xf32, #tpu.memory_space<vmem>> -> memref<9280xf32, #tpu.memory_space<vmem>>
    %dma_start3A_117 = tpu.memref_slice %arg3[%add3A_108] : memref<1000448xf32, #tpu.memory_space<hbm>> -> memref<9280xf32, #tpu.memory_space<hbm>>
    %dma_start3A_118 = arith.constant 0 : i32
    %dma_start3A_119 = tpu.memref_slice %arg7[%dma_start3A_118] : memref<13312xf32, #tpu.memory_space<vmem>> -> memref<9280xf32, #tpu.memory_space<vmem>>
    %dma_start3A_120 = tpu.memref_slice %arg3[%add3A_108] : memref<1000448xf32, #tpu.memory_space<hbm>> -> memref<9280xf32, #tpu.memory_space<hbm>>
    tpu.enqueue_dma source(%dma_start3A_120 : memref<9280xf32, #tpu.memory_space<hbm>>) target(%dma_start3A_119 : memref<9280xf32, #tpu.memory_space<vmem>>) target_semaphore(%arg11 : memref<!tpu.dma_semaphore, #tpu.memory_space<semaphore_mem>>)
    %dma_wait3A_121 = arith.constant 0 : i32
    %dma_wait3A_122 = tpu.memref_slice %arg7[%dma_wait3A_121] : memref<13312xf32, #tpu.memory_space<vmem>> -> memref<9280xf32, #tpu.memory_space<vmem>>
    %dma_wait3A_123 = tpu.memref_slice %arg3[%add3A_108] : memref<1000448xf32, #tpu.memory_space<hbm>> -> memref<9280xf32, #tpu.memory_space<hbm>>
    %dma_wait3A_124 = arith.constant 0 : i32
    %dma_wait3A_125 = tpu.memref_slice %arg7[%dma_wait3A_124] : memref<13312xf32, #tpu.memory_space<vmem>> -> memref<9280xf32, #tpu.memory_space<vmem>>
    %dma_wait3A_126 = tpu.memref_slice %arg3[%add3A_108] : memref<1000448xf32, #tpu.memory_space<hbm>> -> memref<9280xf32, #tpu.memory_space<hbm>>
    tpu.wait_dma2 semaphore(%arg11 : memref<!tpu.dma_semaphore, #tpu.memory_space<semaphore_mem>>) src(%dma_wait3A_126 : memref<9280xf32, #tpu.memory_space<hbm>>) dst(%dma_wait3A_125 : memref<9280xf32, #tpu.memory_space<vmem>>)
    %dma_start3A_127 = arith.constant 0 : i32
    %dma_start3A_128 = tpu.memref_slice %arg7[%dma_start3A_127] : memref<13312xf32, #tpu.memory_space<vmem>> -> memref<9280xf32, #tpu.memory_space<vmem>>
    %dma_start3A_129 = tpu.memref_slice %arg9[%add3A_108] : memref<1000448xf32, #tpu.memory_space<vmem_shared>> -> memref<9280xf32, #tpu.memory_space<vmem_shared>>
    %dma_start3A_130 = tpu.memref_slice %arg9[%add3A_108] : memref<1000448xf32, #tpu.memory_space<vmem_shared>> -> memref<9280xf32, #tpu.memory_space<vmem_shared>>
    %dma_start3A_131 = arith.constant 0 : i32
    %dma_start3A_132 = tpu.memref_slice %arg7[%dma_start3A_131] : memref<13312xf32, #tpu.memory_space<vmem>> -> memref<9280xf32, #tpu.memory_space<vmem>>
    tpu.enqueue_dma source(%dma_start3A_132 : memref<9280xf32, #tpu.memory_space<vmem>>) target(%dma_start3A_130 : memref<9280xf32, #tpu.memory_space<vmem_shared>>) target_semaphore(%arg12 : memref<!tpu.dma_semaphore, #tpu.memory_space<semaphore_mem>>)
    %dma_wait3A_133 = arith.constant 0 : i32
    %dma_wait3A_134 = tpu.memref_slice %arg7[%dma_wait3A_133] : memref<13312xf32, #tpu.memory_space<vmem>> -> memref<9280xf32, #tpu.memory_space<vmem>>
    %dma_wait3A_135 = tpu.memref_slice %arg9[%add3A_108] : memref<1000448xf32, #tpu.memory_space<vmem_shared>> -> memref<9280xf32, #tpu.memory_space<vmem_shared>>
    %dma_wait3A_136 = tpu.memref_slice %arg9[%add3A_108] : memref<1000448xf32, #tpu.memory_space<vmem_shared>> -> memref<9280xf32, #tpu.memory_space<vmem_shared>>
    %dma_wait3A_137 = arith.constant 0 : i32
    %dma_wait3A_138 = tpu.memref_slice %arg7[%dma_wait3A_137] : memref<13312xf32, #tpu.memory_space<vmem>> -> memref<9280xf32, #tpu.memory_space<vmem>>
    tpu.wait_dma2 semaphore(%arg12 : memref<!tpu.dma_semaphore, #tpu.memory_space<semaphore_mem>>) src(%dma_wait3A_138 : memref<9280xf32, #tpu.memory_space<vmem>>) dst(%dma_wait3A_136 : memref<9280xf32, #tpu.memory_space<vmem_shared>>)
    %dma_wait3A_139 = arith.constant 0 : i32
    %dma_wait3A_140 = tpu.memref_slice %arg8[%dma_wait3A_139] : memref<13312xf32, #tpu.memory_space<vmem>> -> memref<13312xf32, #tpu.memory_space<vmem>>
    %dma_wait3A_141 = tpu.memref_slice %arg9[%add3A_80] : memref<1000448xf32, #tpu.memory_space<vmem_shared>> -> memref<13312xf32, #tpu.memory_space<vmem_shared>>
    %dma_wait3A_142 = tpu.memref_slice %arg9[%add3A_80] : memref<1000448xf32, #tpu.memory_space<vmem_shared>> -> memref<13312xf32, #tpu.memory_space<vmem_shared>>
    %dma_wait3A_143 = arith.constant 0 : i32
    %dma_wait3A_144 = tpu.memref_slice %arg8[%dma_wait3A_143] : memref<13312xf32, #tpu.memory_space<vmem>> -> memref<13312xf32, #tpu.memory_space<vmem>>
    tpu.wait_dma2 semaphore(%arg12 : memref<!tpu.dma_semaphore, #tpu.memory_space<semaphore_mem>>) src(%dma_wait3A_144 : memref<13312xf32, #tpu.memory_space<vmem>>) dst(%dma_wait3A_142 : memref<13312xf32, #tpu.memory_space<vmem_shared>>)
    %dma_wait3A_145 = arith.constant 0 : i32
    %dma_wait3A_146 = tpu.memref_slice %arg2[%dma_wait3A_145, %mul3A_2] : memref<26x16384xi32, #tpu.memory_space<hbm>> -> memref<26x512xi32, #tpu.memory_space<hbm>>
    %dma_wait3A_147 = arith.constant 0 : i32
    %dma_wait3A_148 = tpu.memref_slice %arg2[%dma_wait3A_147, %mul3A_2] : memref<26x16384xi32, #tpu.memory_space<hbm>> -> memref<26x512xi32, #tpu.memory_space<hbm>>
    tpu.wait_dma2 semaphore(%arg13 : memref<!tpu.dma_semaphore, #tpu.memory_space<semaphore_mem>>) src(%dma_wait3A_148 : memref<26x512xi32, #tpu.memory_space<hbm>>) dst(%arg5 : memref<26x512xi32, #tpu.memory_space<vmem>>)
    %barrier3A = arith.constant 0 : index
    tpu.barrier barrier_id(%barrier3A)
    %scan3A = arith.constant 0 : i32
    %scan3A_149 = arith.constant 0 : i32
    %scan3A_150 = arith.constant 104 : i32
    %scan3A_151 = arith.addi %scan3A_149, %scan3A_150 : i32
    %scan3A_152 = arith.constant 1 : i32
    scf.for %scan3A_160 = %scan3A_149 to %scan3A_151 step %scan3A_152  : i32 {
      %jit3A = arith.constant 4 : i32
      %div3A = arith.divsi %scan3A_160, %jit3A : i32
      %sign3A = arith.constant 0 : i32
      %sign3A_161 = arith.cmpi sgt, %scan3A_160, %sign3A : i32
      %sign3A_162 = arith.extui %sign3A_161 : i1 to i32
      %sign3A_163 = arith.constant 0 : i32
      %sign3A_164 = arith.cmpi slt, %scan3A_160, %sign3A_163 : i32
      %sign3A_165 = arith.extui %sign3A_164 : i1 to i32
      %sign3A_166 = arith.subi %sign3A_162, %sign3A_165 : i32
      %sign3A_167 = arith.constant 0 : i32
      %sign3A_168 = arith.cmpi sgt, %jit3A, %sign3A_167 : i32
      %sign3A_169 = arith.extui %sign3A_168 : i1 to i32
      %sign3A_170 = arith.constant 0 : i32
      %sign3A_171 = arith.cmpi slt, %jit3A, %sign3A_170 : i32
      %sign3A_172 = arith.extui %sign3A_171 : i1 to i32
      %sign3A_173 = arith.subi %sign3A_169, %sign3A_172 : i32
      %ne3A = arith.cmpi ne, %sign3A_166, %sign3A_173 : i32
      %rem3A = arith.remsi %scan3A_160, %jit3A : i32
      %ne3A_174 = arith.constant 0 : i32
      %ne3A_175 = arith.cmpi ne, %rem3A, %ne3A_174 : i32
      %and3A = arith.andi %ne3A, %ne3A_175 : i1
      %sub3A = arith.constant 1 : i32
      %sub3A_176 = arith.subi %div3A, %sub3A : i32
      %select_n3A = arith.select %and3A, %sub3A_176, %div3A : i32
      %jit3A_177 = arith.constant 4 : i32
      %eq3A = arith.constant 0 : i32
      %eq3A_178 = arith.cmpi eq, %jit3A_177, %eq3A : i32
      %jit3A_179 = arith.constant 1 : i32
      %select_n3A_180 = arith.select %eq3A_178, %jit3A_179, %jit3A_177 : i32
      %rem3A_181 = arith.remsi %scan3A_160, %select_n3A_180 : i32
      %ne3A_182 = arith.constant 0 : i32
      %ne3A_183 = arith.cmpi ne, %rem3A_181, %ne3A_182 : i32
      %lt3A = arith.constant 0 : i32
      %lt3A_184 = arith.cmpi slt, %rem3A_181, %lt3A : i32
      %lt3A_185 = arith.constant 0 : i32
      %lt3A_186 = arith.cmpi slt, %select_n3A_180, %lt3A_185 : i32
      %ne3A_187 = arith.xori %lt3A_184, %lt3A_186 : i1
      %and3A_188 = arith.andi %ne3A_187, %ne3A_183 : i1
      %add3A_189 = arith.addi %rem3A_181, %select_n3A_180 : i32
      %select_n3A_190 = arith.select %and3A_188, %add3A_189, %rem3A_181 : i32
      %mul3A_191 = arith.constant 128 : i32
      %mul3A_192 = arith.muli %select_n3A_190, %mul3A_191 : i32
      %mul3A_193 = arith.constant 128 : i32
      %mul3A_194 = arith.muli %select_n3A_190, %mul3A_193 : i32
      %dma_start3A_195 = tpu.memref_slice %arg6[%select_n3A, %mul3A_194] : memref<26x512xf32, #tpu.memory_space<vmem>> -> memref<1x128xf32, #tpu.memory_space<vmem>>
      %dma_start3A_196 = tpu.memref_squeeze %dma_start3A_195 : memref<1x128xf32, #tpu.memory_space<vmem>> -> memref<128xf32, #tpu.memory_space<vmem>>
      %dma_start3A_197 = tpu.memref_slice %arg5[%select_n3A, %mul3A_192] : memref<26x512xi32, #tpu.memory_space<vmem>> -> memref<1x128xi32, #tpu.memory_space<vmem>>
      %dma_start3A_198 = tpu.memref_squeeze %dma_start3A_197 : memref<1x128xi32, #tpu.memory_space<vmem>> -> memref<128xi32, #tpu.memory_space<vmem>>
      %dma_start3A_199 = arith.constant 0 : i32
      %dma_start3A_200 = tpu.memref_slice %arg9[%dma_start3A_199] : memref<1000448xf32, #tpu.memory_space<vmem_shared>> -> memref<1000448xf32, #tpu.memory_space<vmem_shared>>
      tpu.enqueue_indirect_dma source(%dma_start3A_200 : memref<1000448xf32, #tpu.memory_space<vmem_shared>>) target(%dma_start3A_196 : memref<128xf32, #tpu.memory_space<vmem>>) offsets(%dma_start3A_198 : memref<128xi32, #tpu.memory_space<vmem>>) semaphore(%arg10 : memref<!tpu.dma_semaphore, #tpu.memory_space<semaphore_mem>>)
    }
    %scan3A_153 = arith.constant 104 : i32
    %scan3A_154 = arith.constant 0 : i32
    %scan3A_155 = arith.constant 0 : i32
    %scan3A_156 = arith.constant 104 : i32
    %scan3A_157 = arith.addi %scan3A_155, %scan3A_156 : i32
    %scan3A_158 = arith.constant 1 : i32
    scf.for %scan3A_160 = %scan3A_155 to %scan3A_157 step %scan3A_158  : i32 {
      %dma_wait3A_161 = arith.constant 0 : i32
      %dma_wait3A_162 = arith.constant 0 : i32
      %dma_wait3A_163 = tpu.memref_slice %arg6[%dma_wait3A_161, %dma_wait3A_162] : memref<26x512xf32, #tpu.memory_space<vmem>> -> memref<1x128xf32, #tpu.memory_space<vmem>>
      %dma_wait3A_164 = tpu.memref_squeeze %dma_wait3A_163 : memref<1x128xf32, #tpu.memory_space<vmem>> -> memref<128xf32, #tpu.memory_space<vmem>>
      %dma_wait3A_165 = arith.constant 0 : i32
      %dma_wait3A_166 = tpu.memref_slice %arg3[%dma_wait3A_165] : memref<1000448xf32, #tpu.memory_space<hbm>> -> memref<128xf32, #tpu.memory_space<hbm>>
      %dma_wait3A_167 = arith.constant 0 : i32
      %dma_wait3A_168 = tpu.memref_slice %arg6[%dma_wait3A_161, %dma_wait3A_167] : memref<26x512xf32, #tpu.memory_space<vmem>> -> memref<1x128xf32, #tpu.memory_space<vmem>>
      %dma_wait3A_169 = tpu.memref_squeeze %dma_wait3A_168 : memref<1x128xf32, #tpu.memory_space<vmem>> -> memref<128xf32, #tpu.memory_space<vmem>>
      %dma_wait3A_170 = arith.constant 0 : i32
      %dma_wait3A_171 = tpu.memref_slice %arg3[%dma_wait3A_170] : memref<1000448xf32, #tpu.memory_space<hbm>> -> memref<128xf32, #tpu.memory_space<hbm>>
      tpu.wait_dma2 semaphore(%arg10 : memref<!tpu.dma_semaphore, #tpu.memory_space<semaphore_mem>>) src(%dma_wait3A_171 : memref<128xf32, #tpu.memory_space<hbm>>) dst(%dma_wait3A_169 : memref<128xf32, #tpu.memory_space<vmem>>)
    }
    %scan3A_159 = arith.constant 104 : i32
    "tpu.region"() ({
      %run_scoped3A = tpu.sem_alloc : memref<!tpu.dma_semaphore, #tpu.memory_space<semaphore_mem>>
      %dma_start3A_160 = arith.constant 0 : i32
      %dma_start3A_161 = tpu.memref_slice %arg4[%dma_start3A_160, %mul3A_2] : memref<26x16384xf32, #tpu.memory_space<hbm>> -> memref<26x512xf32, #tpu.memory_space<hbm>>
      %dma_start3A_162 = arith.constant 0 : i32
      %dma_start3A_163 = tpu.memref_slice %arg4[%dma_start3A_162, %mul3A_2] : memref<26x16384xf32, #tpu.memory_space<hbm>> -> memref<26x512xf32, #tpu.memory_space<hbm>>
      tpu.enqueue_dma source(%arg6 : memref<26x512xf32, #tpu.memory_space<vmem>>) target(%dma_start3A_163 : memref<26x512xf32, #tpu.memory_space<hbm>>) target_semaphore(%run_scoped3A : memref<!tpu.dma_semaphore, #tpu.memory_space<semaphore_mem>>)
      %dma_wait3A_164 = arith.constant 0 : i32
      %dma_wait3A_165 = tpu.memref_slice %arg4[%dma_wait3A_164, %mul3A_2] : memref<26x16384xf32, #tpu.memory_space<hbm>> -> memref<26x512xf32, #tpu.memory_space<hbm>>
      %dma_wait3A_166 = arith.constant 0 : i32
      %dma_wait3A_167 = tpu.memref_slice %arg4[%dma_wait3A_166, %mul3A_2] : memref<26x16384xf32, #tpu.memory_space<hbm>> -> memref<26x512xf32, #tpu.memory_space<hbm>>
      tpu.wait_dma2 semaphore(%run_scoped3A : memref<!tpu.dma_semaphore, #tpu.memory_space<semaphore_mem>>) src(%arg6 : memref<26x512xf32, #tpu.memory_space<vmem>>) dst(%dma_wait3A_167 : memref<26x512xf32, #tpu.memory_space<hbm>>)
      tpu.yield
    }) : () -> ()
    return
  }
}

module attributes {stable_mosaic.version = 14 : i64} {
  func.func @_pool_body(%arg0: i32, %arg1: memref<26x16x2048xf32, #tpu.memory_space<vmem>>, %arg2: memref<16x2048xf32, #tpu.memory_space<vmem>>) attributes {dimension_semantics = [#tpu.dimension_semantics<arbitrary>], iteration_bounds = array<i64: 8>, scalar_prefetch = 0 : i64, scratch_operands = 0 : i64, tpu.core_type = #tpu.core_type<tc>, window_params = [{transform_indices = @transform_0, window_bounds = array<i64: 26, 16, 2048>}, {transform_indices = @transform_1, window_bounds = array<i64: 16, 2048>}]} {
    %get3A = arith.constant 0 : index
    %get3A_0 = arith.constant 0 : index
    %get3A_1 = arith.constant 0 : index
    %get3A_2 = vector.load %arg1[%get3A, %get3A_0, %get3A_1] : memref<26x16x2048xf32, #tpu.memory_space<vmem>>, vector<26x16x2048xf32>
    %reduce_sum3A = arith.constant dense<0.000000e+00> : vector<16x2048xf32>
    %reduce_sum3A_3 = vector.multi_reduction <add>, %get3A_2, %reduce_sum3A [0] : vector<26x16x2048xf32> to vector<16x2048xf32>
    %mul3A = arith.mulf %get3A_2, %get3A_2 : vector<26x16x2048xf32>
    %reduce_sum3A_4 = arith.constant dense<0.000000e+00> : vector<16x2048xf32>
    %reduce_sum3A_5 = vector.multi_reduction <add>, %mul3A, %reduce_sum3A_4 [0] : vector<26x16x2048xf32> to vector<16x2048xf32>
    %mul3A_6 = arith.mulf %reduce_sum3A_3, %reduce_sum3A_3 : vector<16x2048xf32>
    %sub3A = arith.subf %mul3A_6, %reduce_sum3A_5 : vector<16x2048xf32>
    %mul3A_7 = arith.constant 5.000000e-01 : f32
    %mul3A_8 = vector.broadcast %mul3A_7 : f32 to vector<16x2048xf32>
    %mul3A_9 = arith.mulf %mul3A_8, %sub3A : vector<16x2048xf32>
    %swap3A = arith.constant 0 : index
    %swap3A_10 = arith.constant 0 : index
    %swap3A_11 = vector.load %arg2[%swap3A, %swap3A_10] : memref<16x2048xf32, #tpu.memory_space<vmem>>, vector<16x2048xf32>
    tpu.vector_store %arg2[%swap3A, %swap3A_10], %mul3A_9 {strides = array<i32>} : memref<16x2048xf32, #tpu.memory_space<vmem>>, vector<16x2048xf32>,
    return
  }
  func.func @transform_0(%arg0: i32) -> (i32, i32, i32) {
    %c0_i32 = arith.constant 0 : i32
    %c0_i32_0 = arith.constant 0 : i32
    %c0_i32_1 = arith.constant 0 : i32
    return %c0_i32, %c0_i32_0, %arg0 : i32, i32, i32
  }
  func.func @transform_1(%arg0: i32) -> (i32, i32) {
    %c0_i32 = arith.constant 0 : i32
    %c0_i32_0 = arith.constant 0 : i32
    return %c0_i32, %arg0 : i32, i32
  }
}

</mosaic_0001>

<sc_bundles>
// kernel: kernel.4.cloned.1.call-start
scs
__scs_entry_jumppad:
0x0: {  	(pc) =	sbr.rel $0x88, $3  }
0x1: {  	(tag) =	ssettag $0x0;
	lr =	simm.s32 $0x1  }
0x2: {  	[smem:$0x3F9E] =	sst lr;
	_ =	strace $0xD0000000  }
0x3: {  	_ = 	snop  }
0x4: {  	_ = 	snop  }
0x5: {  	_ = 	snop  }
0x6: {  	_ = 	snop  }
0x7: {  	_ = 	snop  }
__scs_overlays_trampoline_lowered:
0x8: {  	[smem:$0x3FAD] =	sst s0  }
0x9: {  	[smem:$0x3FAE] =	sst s1  }
0xa: {  	[smem:$0x3FAF] =	sst s2  }
0xb: {  	[smem:$0x3FB0] =	sst s3  }
0xc: {  	[smem:$0x3FB1] =	sst s4  }
0xd: {  	[smem:$0x3FB2] =	sst s5  }
0xe: {  	[smem:$0x3FB3] =	sst s6  }
0xf: {  	[smem:$0x3FB4] =	sst s7  }
0x10: {  	[smem:$0x3FB5] =	sst s8  }
0x11: {  	[smem:$0x3FB6] =	sst s9;
	s0 =	simm.s32 @!p0 $0x0  }
0x12: {  	s1 =	sld [smem:$0x3F9C];
	s0 =	simm.s32 @p0 $0x1  }
0x13: {  	[smem:$0x3FB7] =	sst s0;
	s0 =	simm.s32 @!p1 $0x0  }
0x14: {  	s2 =	sld [smem:$0x3F9B];
	s0 =	simm.s32 @p1 $0x1  }
0x15: {  	[smem:$0x3FB8] =	sst s0;
	s0 =	simm.s32 @!p2 $0x0  }
0x16: {  	s3 =	sld [smem:$0x3FDB];
	s0 =	simm.s32 @p2 $0x1  }
0x17: {  	s4 =	simm.s32 $0x1BF5;
	[smem:$0x3FBA] =	sst s0  }
0x18: {  	s0 =	sld [smem:$0x3F9D];
	_ =	swait.ge [sflag:s4], $0x0  }
0x19: {  	s7 =	sld [smem:$0x3F9E]  }
0x1a: {  	s8 =	sadd.s32 $0xFFFFE003, lr  }
0x1b: {  	s9 =	sadd.s32 $0xFFFFFEF7, lr;
	s5 =	simm.s32 $0xFFFFFFFF;
	p2 =	slt.u32 s8, $0xFFFFF086  }
0x1c: {  	p1 =	slt.u32 s9, $0xF7A;
	s5 =	simm.s32 @!p2 $0x0  }
0x1d: {  	s5 =	simm.s32 @p1 $0x1;
	p0 =	seq.s32 s7, s2  }
0x1e: {  	s7 =	smul.u32 @!p0 $0xF7A, s2;
	p2 =	seq.s32 @!p0 s5, $0x0  }
0x1f: {  	s9 =	smul.u32 $0xF7A, s1;
	s8 =	simm.s32 @!p0 $0x1BF5;
	p2 =	por !p2, p0  }
0x20: {  	[sflag:s8] =	ssyncset.s32 @!p0 $0xFFFFF086;
	s6 =	sadd.s32 @!p0 s3, s7;
	s7 =	simm.s32 @!p0 $0x108  }
0x21: {  	s3 =	sadd.s32 s3, s9;
	s6 =	sadd.s32 @!p0 $0x88, s6;
	s7 =	simm.s32 @p2 $0x1082  }
0x22: {  	[simem:s7], [sflag:s8] =	dma.local @!p0 [hbm:s6], $0xF7A  }
0x23: {  	s9 =	sor.u32 $0xD0000000, s2;
	s6 =	simm.s32 $0x108;
	_ =	swait.ge @!p0 [sflag:s8], $0x0  }
0x24: {  	s3 =	sadd.s32 $0x88, s3;
	s6 =	simm.s32 @!p1 $0x1082;
	[sflag:s4] =	ssyncset.s32 $0xFFFFF086  }
0x25: {  	[simem:s6], [sflag:s4] =	dma.local [hbm:s3], $0xF7A  }
0x26: {  	[smem:$0x3F9E] =	sst s1;
	(tag) =	ssettag s2;
	_ =	strace s9  }
0x27: {  	s1 =	sld [smem:$0x3FAE]  }
0x28: {  	s2 =	sld [smem:$0x3FAF]  }
0x29: {  	s4 =	sld [smem:$0x3FB1]  }
0x2a: {  	p0 =	seq.s32 s5, $0x0;
	s5 =	sld [smem:$0x3FB2]  }
0x2b: {  	s6 =	sld [smem:$0x3FB3]  }
0x2c: {  	s7 =	sld [smem:$0x3FB4]  }
0x2d: {  	s3 =	simm.s32 $0x108;
	s8 =	sld [smem:$0x3FB5]  }
0x2e: {  	s3 =	simm.s32 @!p0 $0x1082;
	s9 =	sld [smem:$0x3FB6]  }
0x2f: {  	lr =	sadd.s32 s0, s3;
	s0 =	sld [smem:$0x3FAD]  }
0x30: {  	s3 =	sld [smem:$0x3FB0]  }
0x31: {  	[smem:$0x3FB9] =	sst s10  }
0x32: {  	s10 =	sld [smem:$0x3FB7];
	_ =	sdelay $0x3  }
0x33: {  	p0 =	seq.s32 s10, $0x1;
	s10 =	sld [smem:$0x3FB9];
	_ =	sdelay $0x3  }
0x34: {  	[smem:$0x3FB9] =	sst s10  }
0x35: {  	s10 =	sld [smem:$0x3FB8];
	_ =	sdelay $0x3  }
0x36: {  	p1 =	seq.s32 s10, $0x1;
	s10 =	sld [smem:$0x3FB9];
	_ =	sdelay $0x3  }
0x37: {  	[smem:$0x3FB9] =	sst s10  }
0x38: {  	s10 =	sld [smem:$0x3FBA]  }
0x39: {  	_ = 	snop;
	(pc) =	sbr.ind lr, $3  }
0x3a: {  	_ = 	snop  }
0x3b: {  	_ = 	snop  }
0x3c: {  	p2 =	seq.s32 s10, $0x1;
	s10 =	sld [smem:$0x3FB9]  }
0x3d: {  	_ =	shalt  }
0x3e: {  	_ =	shalt  }
0x3f: {  	_ =	shalt  }
0x40: {  	_ =	shalt  }
0x41: {  	_ =	shalt  }
0x42: {  	_ =	shalt  }
0x43: {  	_ =	shalt  }
0x44: {  	_ =	shalt  }
0x45: {  	_ =	shalt  }
0x46: {  	_ =	shalt  }
0x47: {  	_ =	shalt  }
0x48: {  	_ =	shalt  }
0x49: {  	_ =	shalt  }
0x4a: {  	_ =	shalt  }
0x4b: {  	_ =	shalt  }
0x4c: {  	_ =	shalt  }
0x4d: {  	_ =	shalt  }
0x4e: {  	_ =	shalt  }
0x4f: {  	_ =	shalt  }
0x50: {  	_ =	shalt  }
0x51: {  	_ =	shalt  }
0x52: {  	_ =	shalt  }
0x53: {  	_ =	shalt  }
0x54: {  	_ =	shalt  }
0x55: {  	_ =	shalt  }
0x56: {  	_ =	shalt  }
0x57: {  	_ =	shalt  }
0x58: {  	_ =	shalt  }
0x59: {  	_ =	shalt  }
0x5a: {  	_ =	shalt  }
0x5b: {  	_ =	shalt  }
0x5c: {  	_ =	shalt  }
0x5d: {  	_ =	shalt  }
0x5e: {  	_ =	shalt  }
0x5f: {  	_ =	shalt  }
0x60: {  	_ =	shalt  }
0x61: {  	_ =	shalt  }
0x62: {  	_ =	shalt  }
0x63: {  	_ =	shalt  }
0x64: {  	_ =	shalt  }
0x65: {  	_ =	shalt  }
0x66: {  	_ =	shalt  }
0x67: {  	_ =	shalt  }
0x68: {  	_ =	shalt  }
0x69: {  	_ =	shalt  }
0x6a: {  	_ =	shalt  }
0x6b: {  	_ =	shalt  }
0x6c: {  	_ =	shalt  }
0x6d: {  	_ =	shalt  }
0x6e: {  	_ =	shalt  }
0x6f: {  	_ =	shalt  }
0x70: {  	_ =	shalt  }
0x71: {  	_ =	shalt  }
0x72: {  	_ =	shalt  }
0x73: {  	_ =	shalt  }
0x74: {  	_ =	shalt  }
0x75: {  	_ =	shalt  }
0x76: {  	_ =	shalt  }
0x77: {  	_ =	shalt  }
0x78: {  	_ =	shalt  }
0x79: {  	_ =	shalt  }
0x7a: {  	_ =	shalt  }
0x7b: {  	_ =	shalt  }
0x7c: {  	_ =	shalt  }
0x7d: {  	_ =	shalt  }
0x7e: {  	_ =	shalt  }
0x7f: {  	_ =	shalt  }
0x80: {  	_ =	shalt  }
0x81: {  	_ =	shalt  }
0x82: {  	_ =	shalt  }
0x83: {  	_ =	shalt  }
0x84: {  	_ =	shalt  }
0x85: {  	_ =	shalt  }
0x86: {  	_ =	shalt  }
0x87: {  	_ =	shalt  }
.Lfunc_end0:
.L_simem_size_0:
called_computation_lowered:
.L_overlay_start_0:
0x88: {  	s2 =	sld [smem:$0x3FD9]  }
0x89: {  	s3 =	sld [smem:$0x3FFE];
	_ =	sdelay $0x1  }
0x8a: {  	s1 =	srdreg.scid  }
0x8b: {  	s0 =	sand.u32 $0x1, s1  }
0x8c: {  	s17 =	sshll.u32 s0, $0xA;
	s2 =	sadd.s32 s3, s2  }
0x8d: {  	s2 =	sadd.s32 s2, s17  }
0x8e: {  	[smem:$0x3FC5] =	sst s2  }
0x8f: {  	_ = 	snop  }
0x90: {  	s2 =	sld [smem:$0x3FC9];
	(tm) =	ssettm $0x1  }
0x91: {  	s18 =	sld [smem:$0x3FFB];
	_ =	sdelay $0x3  }
0x92: {  	_ =	strace s18  }
0x93: {  	s3 =	sld [smem:$0x3FFC];
	_ =	sdelay $0x3  }
0x94: {  	_ =	strace s3  }
0x95: {  	s3 =	sld [smem:$0x3FFD];
	_ =	sdelay $0x3  }
0x96: {  	_ =	strace s3  }
0x97: {  	_ =	strace $0x8FFFFFFF  }
0x98: {  	s19 =	sld [smem:$0x3FDB];
	_ =	sdelay $0x1  }
0x99: {  	s4 =	simm.s32 $_scs_section_size  }
0x9a: {  	s5 =	simm.s32 $_size__tile_overlayer_lowered;
	s6 =	simm.s32 $_tile_overlayer_lowered  }
0x9b: {  	s22 =	simm.s32 $0x1BFF;
	s21 =	sshll.u32 s6, $0x1;
	s3 =	sadd.s32 s4, s19  }
0x9c: {  	s7 =	simm.s32 $0x0;
	s20 =	sshll.u32 s5, $0x1;
	s5 =	sadd.s32 s21, s3  }
0x9d: {  	[timem:s7], [sflag:s22] =	dma.local [hbm:s5], s20  }
0x9e: {  	_ =	swait.ge [sflag:s22], s20  }
0x9f: {  	s4 =	ssub.s32 $0x0, s20;
	[sflag:s22] =	ssyncset.done $0x0  }
0xa0: {  	[sflag:s22] =	ssyncadd.s32 s4;
	_ =	sdelay $0x1  }
0xa1: {  	s23 =	simm.s32 $0x1B8B  }
0xa2: {  	_ =	swait.ge [sflag:s23], $0x1  }
0xa3: {  	[sflag:s23] =	ssyncset.done $0x0  }
0xa4: {  	s25 =	simm.s32 $0x1B8E;
	s24 =	sld [smem:$0x3FFE];
	[sflag:s23] =	ssyncadd.s32 $0xFFFFFFFF  }
0xa5: {  	s26 =	simm.s32 $execute0_lowered;
	[smem:$0x3FD2] =	sst s25  }
0xa6: {  	s5 =	sshll.u32 s26, $0x1;
	_ =	strace $0x80000046;
	[dreg:$0x1] =	wrdreg $0xFFFFFFFF  }
0xa7: {  	s28 =	simm.s32 $_size_execute0_lowered;
	s3 =	sadd.s32 s3, s5;
	[dreg:$0x0] =	wrdreg $0x0  }
0xa8: {  	s5 =	sshll.u32 s28, $0x1;
	[dreg:$0x2] =	wrdreg s3  }
0xa9: {  	[dreg:$0x3] =	wrdreg s5  }
0xaa: {  	[dreg:$0x4] =	wrdreg $0xC0  }
0xab: {  	_ =	task [dreg:s7], $0x5FFFF  }
0xac: {  	[dreg:$0x1] =	wrdreg $0xFFFFFFFF  }
0xad: {  	[dreg:$0x0] =	wrdreg $0x60  }
0xae: {  	[dreg:$0x2] =	wrdreg s2  }
0xaf: {  	[dreg:$0x3] =	wrdreg s24  }
0xb0: {  	[dreg:$0x4] =	wrdreg $0xE8000  }
0xb1: {  	[dreg:$0x5] =	wrdreg $0x9  }
0xb2: {  	_ =	task.clear_ibuf [dreg:s7], $0x6FFFF;
	_ =	strace $0x90000046  }
0xb3: {  	s29 =	simm.s32 $0x9;
	_ =	strace $0x80000048  }
0xb4: {  	_ =	swait.ge [sflag:s29], $0x1  }
0xb5: {  	[sflag:s29] =	ssyncadd.s32 $0xFFFFFFFF  }
0xb6: {  	_ =	strace $0x90000048  }
0xb7: {  	_ =	sfence  }
0xb8: {  	s30 =	sld [smem:$0x0];
	_ =	sdelay $0x2  }
0xb9: {  	s31 =	sshll.u32 s1, $0xD;
	s1 =	sshrl.u32 s1, $0x2  }
0xba: {  	s3 =	sand.u32 $0x4000, s31;
	s1 =	sadd.s32 s1, s30  }
0xbb: {  	s0 =	sor.u32 s3, s0;
	s1 =	sshll.u32 s1, $0x11  }
0xbc: {  	s0 =	sor.u32 s1, s0  }
0xbd: {  	s0 =	sadd.s32 $0x8F2B, s0  }
0xbe: {  	[sflag:s0] =	ssyncadd.remote.s32 $0x1  }
0xbf: {  	_ =	sfence.sel $0xFFFF  }
0xc0: {  	[dreg:$0x0] =	wrdreg $0xFFFFFFFF;
	(pc) =	sbr.abs _section_cstart, $3  }
0xc1: {  	[dreg:$0x1] =	wrdreg $0xFFFFFFFF  }
0xc2: {  	_ =	task.clear_ibuf [dreg:s7], $0x2FFFF;
	_ =	strace $0x9FFFFFFF  }
0xc3: {  	(tm) =	ssettm $0x7FFFFFFF  }
tec
execute0_lowered:
.L_overlay_start_1:
0x0: {  	(tag) =	ssettag $0x1  }
0x1: {  	s0 =	rddreg [dreg:$0x0]  }
0x2: {  	s2 =	rddreg [dreg:$0x1]  }
0x3: {  	s1 =	rddreg [dreg:$0x2]  }
0x4: {  	s3 =	simm.s32 $0x0;
	s4 =	srdreg.scid;
	s7 =	stileid.u32  }
0x5: {  	s17 =	simm.s32 $0x1000;
	s18 =	simm.s32 $0x20000;
	s19 =	simm.s32 $0x8000  }
0x6: {  	s20 =	simm.s32 $0x2;
	s21 =	simm.s32 $0xB400;
	s28 =	simm.s32 $0x5  }
0x7: {  	s29 =	simm.s32 $0x0;
	[smem:$0x7FF] =	sst s3;
	s4 =	sand.u32 $0x1, s4  }
0x8: {  	s5 =	sshll.u32 s7, $0xA;
	s10 =	smul.u32 $0xF440, s7;
	s13 =	sadd.s32 $0x400, s2  }
0x9: {  	_ =	strace $0x80000047;
	s6 =	sshll.u32 s4, $0x9;
	s4 =	ssub.s32 $0x2, s4  }
0xa: {  	s5 =	sor.u32 s6, s5;
	s22 =	sshrl.u32 s4, $0x1;
	s23 =	sshrl.u32 s10, $0x3  }
0xb: {  	s24 =	sadd.s32 $0x3400, s10;
	s6 =	sadd.s32 s10, s1;
	s11 =	sadd.s32 $0x6800, s10  }
0xc: {  	s30 =	sadd.s32 $0x9C00, s10;
	s14 =	sadd.s32 $0xD000, s10;
	s2 =	sadd.s32 s5, s2  }
0xd: {  	s16 =	ssub.s32 s4, s22;
	s4 =	sadd.s32 s0, s5;
	s5 =	sadd.s32 s13, s23  }
0xe: {  	s25 =	sshrl.u32 s24, $0x3;
	s8 =	sadd.s32 s24, s1;
	s26 =	sshrl.u32 s11, $0x3  }
0xf: {  	s10 =	sadd.s32 s11, s1;
	s31 =	sshrl.u32 s30, $0x3;
	s15 =	sshrl.u32 s14, $0x3  }
0x10: {  	s12 =	sadd.s32 s30, s1;
	s14 =	sadd.s32 s14, s1;
	s22 =	simm.s32 $0x3  }
0x11: {  	s23 =	simm.s32 $0x4;
	s24 =	simm.s32 $0x80;
	s7 =	sadd.s32 s13, s25  }
0x12: {  	s9 =	sadd.s32 s13, s26;
	s11 =	sadd.s32 s13, s31;
	s13 =	sadd.s32 s13, s15  }
0x13: {  	s15 =	sadd.s32 $0x1EE00, s2;
	s16 =	smax.u32 s16, $0x1;
	s25 =	simm.s32 $0x1  }
.LBB2_1:
0x14: {  	[tilespmem:s3], [sflag:$0x4] =	stream.strided.gather [hbm4b:s4+s17], $0x4000, s18, s17, $0x38;
	[tilespmem:$0x1DC40] =	vst v63  }
0x15: {  	_ = 	snop  }
0x16: {  	[tilespmem:s19], [sflag:$0x2] =	stream.linear.gather [hbm4b:s5+s3], $0x3400, $0x38;
	[tilespmem:$0x1DC40] =	vst v63  }
0x17: {  	_ =	swait.ge [sflag:s20], $0x3400  }
0x18: {  	[sflag:s20] =	ssyncset.done $0x0  }
0x19: {  	[sflag:s20] =	ssyncadd.s32 $0xFFFFCC00  }
0x1a: {  	[spmem:s6] =	stream.linear.scatter [tilespmem:s19], [sflag:$0x3], $0x3400, $0x38;
	[tilespmem:$0x1DC40] =	vst v63  }
0x1b: {  	_ = 	snop  }
0x1c: {  	[tilespmem:s21], [sflag:$0x2] =	stream.linear.gather [hbm4b:s7+s3], $0x3400, $0x38;
	[tilespmem:$0x1DC40] =	vst v63  }
0x1d: {  	_ =	swait.ge [sflag:s20], $0x3400  }
0x1e: {  	[sflag:s20] =	ssyncset.done $0x0  }
0x1f: {  	[sflag:s20] =	ssyncadd.s32 $0xFFFFCC00  }
0x20: {  	[spmem:s8] =	stream.linear.scatter [tilespmem:s21], [sflag:$0x3], $0x3400, $0x38;
	[tilespmem:$0x1DC40] =	vst v63  }
0x21: {  	_ =	swait.ge [sflag:s22], $0x3400  }
0x22: {  	[sflag:s22] =	ssyncset.done $0x0  }
0x23: {  	[sflag:s22] =	ssyncadd.s32 $0xFFFFCC00  }
0x24: {  	[tilespmem:s19], [sflag:$0x2] =	stream.linear.gather [hbm4b:s9+s3], $0x3400, $0x38;
	[tilespmem:$0x1DC40] =	vst v63  }
0x25: {  	_ =	swait.ge [sflag:s20], $0x3400  }
0x26: {  	[sflag:s20] =	ssyncset.done $0x0  }
0x27: {  	[sflag:s20] =	ssyncadd.s32 $0xFFFFCC00  }
0x28: {  	[spmem:s10] =	stream.linear.scatter [tilespmem:s19], [sflag:$0x3], $0x3400, $0x38;
	[tilespmem:$0x1DC40] =	vst v63  }
0x29: {  	_ =	swait.ge [sflag:s22], $0x3400  }
0x2a: {  	[sflag:s22] =	ssyncset.done $0x0  }
0x2b: {  	[sflag:s22] =	ssyncadd.s32 $0xFFFFCC00  }
0x2c: {  	[tilespmem:s21], [sflag:$0x2] =	stream.linear.gather [hbm4b:s11+s3], $0x3400, $0x38;
	[tilespmem:$0x1DC40] =	vst v63  }
0x2d: {  	_ =	swait.ge [sflag:s20], $0x3400  }
0x2e: {  	[sflag:s20] =	ssyncset.done $0x0  }
0x2f: {  	[sflag:s20] =	ssyncadd.s32 $0xFFFFCC00  }
0x30: {  	[spmem:s12] =	stream.linear.scatter [tilespmem:s21], [sflag:$0x3], $0x3400, $0x38;
	[tilespmem:$0x1DC40] =	vst v63  }
0x31: {  	_ =	swait.ge [sflag:s22], $0x3400  }
0x32: {  	[sflag:s22] =	ssyncset.done $0x0  }
0x33: {  	[sflag:s22] =	ssyncadd.s32 $0xFFFFCC00  }
0x34: {  	[tilespmem:s19], [sflag:$0x2] =	stream.linear.gather [hbm4b:s13+s3], $0x2440, $0x38;
	[tilespmem:$0x1DC40] =	vst v63  }
0x35: {  	_ =	swait.ge [sflag:s20], $0x2440  }
0x36: {  	[sflag:s20] =	ssyncset.done $0x0  }
0x37: {  	[sflag:s20] =	ssyncadd.s32 $0xFFFFDBC0  }
0x38: {  	[spmem:s14] =	stream.linear.scatter [tilespmem:s19], [sflag:$0x3], $0x2440, $0x38;
	[tilespmem:$0x1DC40] =	vst v63  }
0x39: {  	_ =	swait.ge [sflag:s22], $0x2440  }
0x3a: {  	[sflag:s22] =	ssyncset.done $0x0  }
0x3b: {  	[sflag:s22] =	ssyncadd.s32 $0xFFFFDBC0  }
0x3c: {  	_ =	swait.ge [sflag:s22], $0x3400  }
0x3d: {  	[sflag:s22] =	ssyncset.done $0x0  }
0x3e: {  	s0 =	simm.s32 $0x0;
	s2 =	sand.u32 $0xC00, s3;
	[sflag:s22] =	ssyncadd.s32 $0xFFFFCC00  }
0x3f: {  	s30 =	simm.s32 $0x0;
	s0 =	sand.u32 $0x3000, s0;
	_ =	swait.ge [sflag:s23], $0x4000  }
0x40: {  	s26 =	sand.u32 $0x380, s30;
	s0 =	sor.u32 s2, s0;
	[sflag:s23] =	ssyncset.done $0x0  }
0x41: {  	s31 =	simm.s32 $0x400;
	s0 =	sor.u32 s26, s0;
	[sflag:s23] =	ssyncadd.s32 $0xFFFFC000  }
0x42: {  	s30 =	simm.s32 $0x1;
	s2 =	sor.u32 $0x4000, s0;
	[bflag:$0x0] =	sbarrier.arrive $0xFFFF  }
.LBB2_2:
0x43: {  	[tilespmem:s2], [sflag:$0x1] =	stream.indirect.gather [spmem:s1], $0x1, s0, s24, $0xb8;
	[tilespmem:$0x1DC40] =	vst v63  }
0x44: {  	p0 =	sne.s32 s30, $0x67  }
.Ltmp0:
0x45: {  	s0 =	sshll.u32 s30, $0x7;
	(pc) =	sbr.rel @p0 .LBB2_2-.Ltmp0, $4  }
0x46: {  	s2 =	sand.u32 $0xC00, s31;
	s26 =	sshll.u32 s30, $0x5;
	s0 =	sand.u32 $0x3000, s0  }
0x47: {  	s30 =	sadd.s32 $0x1, s30;
	s0 =	sor.u32 s2, s0;
	s2 =	sand.u32 $0x380, s26  }
0x48: {  	s0 =	sor.u32 s2, s0  }
0x49: {  	s31 =	sadd.s32 $0x400, s31;
	s2 =	sor.u32 $0x4000, s0  }
0x4a: {  	[tilespmem:s2], [sflag:$0x1] =	stream.indirect.gather [spmem:s1], $0x1, s0, s24, $0xb8;
	[tilespmem:$0x1DC40] =	vst v63  }
0x4b: {  	_ =	swait.ge [sflag:s25], $0x80  }
0x4c: {  	s30 =	simm.s32 $0x67;
	[sflag:s25] =	ssyncset.done $0x0  }
.LBB2_4:
0x4d: {  	p0 =	sne.s32 s30, $0x1;
	s30 =	sadd.s32 $0xFFFFFFFF, s30;
	[sflag:s25] =	ssyncadd.s32 $0xFFFFFF80  }
.Ltmp1:
0x4e: {  	(pc) =	sbr.rel @p0 .LBB2_4-.Ltmp1, $3  }
0x4f: {  	_ =	sdelay $0x1  }
0x50: {  	_ =	swait.ge [sflag:s25], $0x80  }
0x51: {  	[sflag:s25] =	ssyncset.done $0x0  }
0x52: {  	s29 =	sadd.s32 $0x1, s29  }
0x53: {  	p0 =	sne.s32 s29, s16  }
.Ltmp2:
0x54: {  	[sflag:s25] =	ssyncadd.s32 $0xFFFFFF80;
	s0 =	simm.s32 $0x4000;
	(pc) =	sbr.rel @p0 .LBB2_1-.Ltmp2, $4  }
0x55: {  	[hbm4b:s15+s17] =	stream.strided.scatter [tilespmem:s0], [sflag:$0x5], $0x4000, s18, s17, $0x38;
	[tilespmem:$0x1DC40] =	vst v63  }
0x56: {  	_ =	swait.ge [sflag:s28], $0x4000  }
0x57: {  	[sflag:s28] =	ssyncset.done $0x0  }
0x58: {  	[sflag:s28] =	ssyncadd.s32 $0xFFFFC000  }
0x59: {  	_ =	sfence.sel $0x180000  }
0x5a: {  	[bflag:$0x0] =	sbarrier.arrive $0xFFFF  }
0x5b: {  	_ =	strace $0x90000047  }
0x5c: {  	s0 =	stileid.u32;
	[bflag:$0x2] =	sbarrier.arrive $0xFFFF  }
0x5d: {  	p0 =	sne.s32 s0, $0x0;
	s0 =	rddreg [dreg:$0x3]  }
0x5e: {  	s0 =	sadd.s32 @!p0 $0x100000, s0  }
0x5f: {  	[sflag:s0] =	ssyncadd.tile.s32 @!p0 $0x1;
	_ =	shalt  }
.Lfunc_end2:
_tile_overlayer_lowered:
.L_overlay_start_2:
0x60: {  	(tag) =	ssettag $0x2  }
0x61: {  	s0 =	rddreg [dreg:$0x0];
	s2 =	stileid.u32  }
0x62: {  	s1 =	rddreg [dreg:$0x1];
	p0 =	sne.s32 s2, $0x0  }
0x63: {  	s3 =	rddreg [dreg:$0x2];
	[bflag:$0x3] =	sbarrier.arrive $0xFFFF;
	s2 =	simm.s32 @!p0 $0x1C05  }
0x64: {  	[timem:s3], [sflag:s2] =	dma.local @!p0 [hbm:s0], s1  }
0x65: {  	s0 =	simm.s32 @!p0 $0x5  }
0x66: {  	_ =	swait.ge @!p0 [sflag:s0], s1  }
0x67: {  	s1 =	ssub.s32 @!p0 $0x0, s1;
	[sflag:s0] =	ssyncset.done @!p0 $0x0  }
0x68: {  	[sflag:s0] =	ssyncadd.s32 @!p0 s1  }
0x69: {  	[bflag:$0x3] =	sbarrier.arrive $0xFFFF  }
0x6a: {  	_ =	shalt  }

</sc_bundles>
